<compile_context>
chip_gen: v7x
topology: tpu7x:2x2x1
jax: 0.10.2.dev20260603
libtpu: 0.0.44.dev20260713+nightly
codegen_flags: <defaults>
</compile_context>

<pallas_src>
import functools

import jax
import jax.numpy as jnp
from jax import lax
from jax.experimental import pallas as pl
from jax.experimental.pallas import tpu as pltpu
from jax.experimental.pallas import tpu_sc as plsc

_V = 1000
_D = 64
_DP = 128
_BATCH = 1024
_SEQ = 50
_B = _BATCH * _SEQ
_NC = 2
_NS = 16
_NW = _NC * _NS
_NCHK = 1
_TCH = _SEQ // _NCHK
_BCH = _TCH * _BATCH
_TPW = _BCH // _NW
_CH = 80
_NCHUNK = _TPW // _CH

_mesh = plsc.VectorSubcoreMesh(core_axis_name="c", subcore_axis_name="s")


def _make_gather(k):
    @functools.partial(
        pl.kernel,
        mesh=_mesh,
        out_type=jax.ShapeDtypeStruct((_BCH, _DP), jnp.float32),
        scratch_types=[
            pltpu.VMEM((_TPW,), jnp.int32),
            pltpu.VMEM((2, _CH, _DP), jnp.float32),
            pltpu.VMEM_SHARED((_V, _DP), jnp.float32),
            pltpu.SemaphoreType.DMA,
            pltpu.SemaphoreType.DMA,
            pltpu.SemaphoreType.DMA,
            pltpu.SemaphoreType.DMA,
        ],
    )
    def _gather_chunk(table_hbm, ids_hbm, out_hbm, idx_v, rows_v,
                      table_sp, gs0, gs1, ss0, ss1):
        wid = lax.axis_index("s") * _NC + lax.axis_index("c")
        base = wid * _TPW

        @pl.when(lax.axis_index("s") == 0)
        def _():
            pltpu.sync_copy(table_hbm, table_sp)

        pltpu.sync_copy(ids_hbm.at[pl.ds(k * _BCH + base, _TPW)], idx_v)
        plsc.subcore_barrier()

        def gather(c, p):
            gsem = gs0 if p == 0 else gs1
            return pltpu.make_async_copy(
                table_sp.at[idx_v.at[pl.ds(c * _CH, _CH)]],
                rows_v.at[p], gsem)

        def scatter(c, p):
            ssem = ss0 if p == 0 else ss1
            return pltpu.make_async_copy(
                rows_v.at[p], out_hbm.at[pl.ds(base + c * _CH, _CH)],
                ssem)

        gather(0, 0).start()

        def body(i, carry):
            c0 = i * 2
            gather(c0, 0).wait()
            scatter(c0, 0).start()

            @pl.when(i >= 1)
            def _():
                scatter(c0 - 1, 1).wait()

            gather(c0 + 1, 1).start()

            c1 = c0 + 1
            gather(c1, 1).wait()
            scatter(c1, 1).start()

            @pl.when(c1 + 1 < _NCHUNK)
            def _():
                scatter(c1 - 1, 0).wait()
                gather(c1 + 1, 0).start()

            return carry

        lax.fori_loop(0, _NCHUNK // 2, body, 0)
        scatter(_NCHUNK - 2, 0).wait()
        scatter(_NCHUNK - 1, 1).wait()

    return _gather_chunk


_gather_chunks = [_make_gather(k) for k in range(_NCHK)]


def _proj_first_kernel(x_ref, w_ref, b_ref, o_ref):
    o_ref[0] = lax.dot_general(
        w_ref[...], x_ref[0],
        (((1,), (1,)), ((), ())),
        preferred_element_type=jnp.float32,
    ) + b_ref[...]


def _proj_next_kernel(x_ref, w_ref, b_ref, prev_ref, o_ref):
    del prev_ref
    o_ref[0] = lax.dot_general(
        w_ref[...], x_ref[0],
        (((1,), (1,)), ((), ())),
        preferred_element_type=jnp.float32,
    ) + b_ref[...]


def _project_chunk(k, x3, w_pad, b2d, prev):
    x_spec = pl.BlockSpec((1, _BATCH, _DP), lambda t: (t, 0, 0))
    w_spec = pl.BlockSpec((_V, _DP), lambda t: (0, 0))
    b_spec = pl.BlockSpec((_V, 1), lambda t: (0, 0))
    o_spec = pl.BlockSpec((1, _V, _BATCH),
                          lambda t, k=k: (k * _TCH + t, 0, 0))
    out_shape = jax.ShapeDtypeStruct((_SEQ, _V, _BATCH), jnp.float32)
    if prev is None:
        return pl.pallas_call(
            _proj_first_kernel, grid=(_TCH,),
            in_specs=[x_spec, w_spec, b_spec],
            out_specs=o_spec, out_shape=out_shape,
        )(x3, w_pad, b2d)
    return pl.pallas_call(
        _proj_next_kernel, grid=(_TCH,),
        in_specs=[x_spec, w_spec, b_spec,
                  pl.BlockSpec(memory_space=pltpu.MemorySpace.HBM)],
        out_specs=o_spec, out_shape=out_shape,
        input_output_aliases={3: 0},
    )(x3, w_pad, b2d, prev)


def kernel(input_ids, embed_table, proj_w, proj_b):
    embed_pad = jnp.pad(embed_table, ((0, 0), (0, _DP - _D)))
    w_pad = jnp.pad(proj_w, ((0, 0), (0, _DP - _D)))
    b2d = proj_b.reshape(_V, 1)
    ids = input_ids.astype(jnp.int32).T.reshape(_B)
    xs = [g(embed_pad, ids) for g in _gather_chunks]
    out_t = None
    for k in range(_NCHK):
        x3 = xs[k].reshape(_TCH, _BATCH, _DP)
        out_t = _project_chunk(k, x3, w_pad, b2d, out_t)
    return out_t.transpose(2, 0, 1)

# --- scband reference (transcript-rebuilt; emitter-appended) ---
"""Pipeline reference for scband-mock-lm-48215302865655 (READ-ONLY COPY).

The authoritative reference and input builder live on the scoring server;
editing this copy changes nothing except your own understanding.
"""

import jax, jax.numpy as jnp
import numpy as np

VOCAB = 1000
D_MODEL = 64

def setup_inputs(seed: int = 0) -> dict:
    key = jax.random.key(seed)
    k1, k2, k3, k4 = jax.random.split(key, 4)
    input_ids = jax.random.randint(k1, (1024, 50), 0, VOCAB, dtype=jnp.int64) if jax.config.read('jax_enable_x64') else jax.random.randint(k1, (1024, 50), 0, VOCAB, dtype=jnp.int32)
    embed_table = jax.random.normal(k2, (VOCAB, D_MODEL), dtype=jnp.float32)
    # nn.Linear(d_model, vocab): weight [vocab, d_model], bias [vocab]
    bound = 1.0 / np.sqrt(D_MODEL)
    proj_w = jax.random.uniform(k3, (VOCAB, D_MODEL), dtype=jnp.float32, minval=-bound, maxval=bound)
    proj_b = jax.random.uniform(k4, (VOCAB,), dtype=jnp.float32, minval=-bound, maxval=bound)
    return {"input_ids": input_ids, "embed_table": embed_table, "proj_w": proj_w, "proj_b": proj_b}

def reference(input_ids, embed_table, proj_w, proj_b):
    # x = embed(input_ids): gather rows from table -> (B, T, d_model)
    x = jnp.take(embed_table, input_ids, axis=0)
    # logits = proj(x): x @ W^T + b -> (B, T, vocab)
    logits = jnp.einsum('btd,vd->btv', x, proj_w) + proj_b
    return logits

if __name__ == "__main__":
    import jax
    _d = setup_inputs()
    print(jax.jit(kernel)(*tuple(_d.values())))

</pallas_src>

<mosaic_0001>
#map = affine_map<(d0, d1) -> (0, 0)>
#map1 = affine_map<(d0, d1) -> (0)>
module attributes {stable_mosaic.version = 14 : i64} {
  func.func @_gather_chunk(%arg0: i32, %arg1: i32, %arg2: memref<1000x128xf32, #tpu.memory_space<hbm>>, %arg3: memref<51200xi32, #tpu.memory_space<hbm>>, %arg4: memref<51200x128xf32, #tpu.memory_space<hbm>>, %arg5: memref<1600xi32, #tpu.memory_space<vmem>>, %arg6: memref<2x80x128xf32, #tpu.memory_space<vmem>>, %arg7: memref<1000x128xf32, #tpu.memory_space<vmem_shared>>, %arg8: memref<!tpu.dma_semaphore, #tpu.memory_space<semaphore_mem>>, %arg9: memref<!tpu.dma_semaphore, #tpu.memory_space<semaphore_mem>>, %arg10: memref<!tpu.dma_semaphore, #tpu.memory_space<semaphore_mem>>, %arg11: memref<!tpu.dma_semaphore, #tpu.memory_space<semaphore_mem>>) attributes {dimension_semantics = [#tpu.dimension_semantics<core_parallel>, #tpu.dimension_semantics<subcore_parallel>], iteration_bounds = array<i64: 2, 16>, scalar_prefetch = 0 : i64, scratch_operands = 7 : i64, tpu.core_type = #tpu.core_type<sc_vector_subcore>, window_params = [{transform_indices = #map}, {transform_indices = #map1}, {transform_indices = #map}]} {
    %mul3A = arith.constant 2 : i32
    %mul3A_0 = arith.muli %arg1, %mul3A : i32
    %add3A = arith.addi %mul3A_0, %arg0 : i32
    %mul3A_1 = arith.constant 1600 : i32
    %mul3A_2 = arith.muli %add3A, %mul3A_1 : i32
    %eq3A = arith.constant 0 : i32
    %eq3A_3 = arith.cmpi eq, %arg1, %eq3A : i32
    %convert_element_type3A = arith.extui %eq3A_3 : i1 to i32
    %cond3A = arith.constant 0 : i32
    %cond3A_4 = arith.cmpi ne, %convert_element_type3A, %cond3A : i32
    scf.if %cond3A_4 {
      "tpu.region"() ({
        %run_scoped3A = tpu.sem_alloc : memref<!tpu.dma_semaphore, #tpu.memory_space<semaphore_mem>>
        tpu.enqueue_dma source(%arg2 : memref<1000x128xf32, #tpu.memory_space<hbm>>) target(%arg7 : memref<1000x128xf32, #tpu.memory_space<vmem_shared>>) target_semaphore(%run_scoped3A : memref<!tpu.dma_semaphore, #tpu.memory_space<semaphore_mem>>)
        tpu.wait_dma2 semaphore(%run_scoped3A : memref<!tpu.dma_semaphore, #tpu.memory_space<semaphore_mem>>) src(%arg2 : memref<1000x128xf32, #tpu.memory_space<hbm>>) dst(%arg7 : memref<1000x128xf32, #tpu.memory_space<vmem_shared>>)
        tpu.yield
      }) : () -> ()
    } else {
    }
    %add3A_5 = arith.constant 0 : i32
    %add3A_6 = arith.addi %add3A_5, %mul3A_2 : i32
    "tpu.region"() ({
      %run_scoped3A = tpu.sem_alloc : memref<!tpu.dma_semaphore, #tpu.memory_space<semaphore_mem>>
      %dma_start3A_50 = tpu.memref_slice %arg3[%add3A_6] : memref<51200xi32, #tpu.memory_space<hbm>> -> memref<1600xi32, #tpu.memory_space<hbm>>
      %dma_start3A_51 = tpu.memref_slice %arg3[%add3A_6] : memref<51200xi32, #tpu.memory_space<hbm>> -> memref<1600xi32, #tpu.memory_space<hbm>>
      tpu.enqueue_dma source(%dma_start3A_51 : memref<1600xi32, #tpu.memory_space<hbm>>) target(%arg5 : memref<1600xi32, #tpu.memory_space<vmem>>) target_semaphore(%run_scoped3A : memref<!tpu.dma_semaphore, #tpu.memory_space<semaphore_mem>>)
      %dma_wait3A_52 = tpu.memref_slice %arg3[%add3A_6] : memref<51200xi32, #tpu.memory_space<hbm>> -> memref<1600xi32, #tpu.memory_space<hbm>>
      %dma_wait3A_53 = tpu.memref_slice %arg3[%add3A_6] : memref<51200xi32, #tpu.memory_space<hbm>> -> memref<1600xi32, #tpu.memory_space<hbm>>
      tpu.wait_dma2 semaphore(%run_scoped3A : memref<!tpu.dma_semaphore, #tpu.memory_space<semaphore_mem>>) src(%dma_wait3A_53 : memref<1600xi32, #tpu.memory_space<hbm>>) dst(%arg5 : memref<1600xi32, #tpu.memory_space<vmem>>)
      tpu.yield
    }) : () -> ()
    %barrier3A = arith.constant 0 : index
    tpu.barrier barrier_id(%barrier3A)
    %dma_start3A = arith.constant 0 : i32
    %dma_start3A_7 = arith.constant 0 : i32
    %dma_start3A_8 = arith.constant 0 : i32
    %dma_start3A_9 = tpu.memref_slice %arg6[%dma_start3A, %dma_start3A_7, %dma_start3A_8] : memref<2x80x128xf32, #tpu.memory_space<vmem>> -> memref<1x80x128xf32, #tpu.memory_space<vmem>>
    %dma_start3A_10 = tpu.memref_squeeze %dma_start3A_9 : memref<1x80x128xf32, #tpu.memory_space<vmem>> -> memref<80x128xf32, #tpu.memory_space<vmem>>
    %dma_start3A_11 = arith.constant 0 : i32
    %dma_start3A_12 = tpu.memref_slice %arg5[%dma_start3A_11] : memref<1600xi32, #tpu.memory_space<vmem>> -> memref<80xi32, #tpu.memory_space<vmem>>
    %dma_start3A_13 = arith.constant 0 : i32
    %dma_start3A_14 = arith.constant 0 : i32
    %dma_start3A_15 = tpu.memref_slice %arg7[%dma_start3A_13, %dma_start3A_14] : memref<1000x128xf32, #tpu.memory_space<vmem_shared>> -> memref<1000x128xf32, #tpu.memory_space<vmem_shared>>
    tpu.enqueue_indirect_dma source(%dma_start3A_15 : memref<1000x128xf32, #tpu.memory_space<vmem_shared>>) target(%dma_start3A_10 : memref<80x128xf32, #tpu.memory_space<vmem>>) offsets(%dma_start3A_12 : memref<80xi32, #tpu.memory_space<vmem>>) semaphore(%arg8 : memref<!tpu.dma_semaphore, #tpu.memory_space<semaphore_mem>>)
    %scan3A = arith.constant 0 : i32
    %scan3A_16 = arith.constant 0 : i32
    %scan3A_17 = arith.constant 10 : i32
    %scan3A_18 = arith.addi %scan3A_16, %scan3A_17 : i32
    %scan3A_19 = arith.constant 1 : i32
    scf.for %scan3A_50 = %scan3A_16 to %scan3A_18 step %scan3A_19  : i32 {
      %mul3A_51 = arith.constant 2 : i32
      %mul3A_52 = arith.muli %scan3A_50, %mul3A_51 : i32
      %mul3A_53 = arith.constant 80 : i32
      %mul3A_54 = arith.muli %mul3A_52, %mul3A_53 : i32
      %dma_wait3A_55 = arith.constant 0 : i32
      %dma_wait3A_56 = arith.constant 0 : i32
      %dma_wait3A_57 = arith.constant 0 : i32
      %dma_wait3A_58 = tpu.memref_slice %arg6[%dma_wait3A_55, %dma_wait3A_56, %dma_wait3A_57] : memref<2x80x128xf32, #tpu.memory_space<vmem>> -> memref<1x80x128xf32, #tpu.memory_space<vmem>>
      %dma_wait3A_59 = tpu.memref_squeeze %dma_wait3A_58 : memref<1x80x128xf32, #tpu.memory_space<vmem>> -> memref<80x128xf32, #tpu.memory_space<vmem>>
      %dma_wait3A_60 = tpu.memref_slice %arg5[%mul3A_54] : memref<1600xi32, #tpu.memory_space<vmem>> -> memref<80xi32, #tpu.memory_space<vmem>>
      %dma_wait3A_61 = arith.constant 0 : i32
      %dma_wait3A_62 = arith.constant 0 : i32
      %dma_wait3A_63 = tpu.memref_slice %arg7[%dma_wait3A_61, %dma_wait3A_62] : memref<1000x128xf32, #tpu.memory_space<vmem_shared>> -> memref<1000x128xf32, #tpu.memory_space<vmem_shared>>
      tpu.wait_indirect_dma semaphore(%arg8 : memref<!tpu.dma_semaphore, #tpu.memory_space<semaphore_mem>>) src(%dma_wait3A_63 : memref<1000x128xf32, #tpu.memory_space<vmem_shared>>) dst(%dma_wait3A_59 : memref<80x128xf32, #tpu.memory_space<vmem>>)
      %mul3A_64 = arith.constant 80 : i32
      %mul3A_65 = arith.muli %mul3A_52, %mul3A_64 : i32
      %add3A_66 = arith.addi %mul3A_2, %mul3A_65 : i32
      %dma_start3A_67 = arith.constant 0 : i32
      %dma_start3A_68 = arith.constant 0 : i32
      %dma_start3A_69 = arith.constant 0 : i32
      %dma_start3A_70 = tpu.memref_slice %arg6[%dma_start3A_67, %dma_start3A_68, %dma_start3A_69] : memref<2x80x128xf32, #tpu.memory_space<vmem>> -> memref<1x80x128xf32, #tpu.memory_space<vmem>>
      %dma_start3A_71 = tpu.memref_squeeze %dma_start3A_70 : memref<1x80x128xf32, #tpu.memory_space<vmem>> -> memref<80x128xf32, #tpu.memory_space<vmem>>
      %dma_start3A_72 = arith.constant 0 : i32
      %dma_start3A_73 = tpu.memref_slice %arg4[%add3A_66, %dma_start3A_72] : memref<51200x128xf32, #tpu.memory_space<hbm>> -> memref<80x128xf32, #tpu.memory_space<hbm>>
      %dma_start3A_74 = arith.constant 0 : i32
      %dma_start3A_75 = tpu.memref_slice %arg4[%add3A_66, %dma_start3A_74] : memref<51200x128xf32, #tpu.memory_space<hbm>> -> memref<80x128xf32, #tpu.memory_space<hbm>>
      %dma_start3A_76 = arith.constant 0 : i32
      %dma_start3A_77 = arith.constant 0 : i32
      %dma_start3A_78 = tpu.memref_slice %arg6[%dma_start3A_67, %dma_start3A_76, %dma_start3A_77] : memref<2x80x128xf32, #tpu.memory_space<vmem>> -> memref<1x80x128xf32, #tpu.memory_space<vmem>>
      %dma_start3A_79 = tpu.memref_squeeze %dma_start3A_78 : memref<1x80x128xf32, #tpu.memory_space<vmem>> -> memref<80x128xf32, #tpu.memory_space<vmem>>
      tpu.enqueue_dma source(%dma_start3A_79 : memref<80x128xf32, #tpu.memory_space<vmem>>) target(%dma_start3A_75 : memref<80x128xf32, #tpu.memory_space<hbm>>) target_semaphore(%arg10 : memref<!tpu.dma_semaphore, #tpu.memory_space<semaphore_mem>>)
      %ge3A = arith.constant 1 : i32
      %ge3A_80 = arith.cmpi sge, %scan3A_50, %ge3A : i32
      %convert_element_type3A_81 = arith.extui %ge3A_80 : i1 to i32
      %cond3A_82 = arith.constant 0 : i32
      %cond3A_83 = arith.cmpi ne, %convert_element_type3A_81, %cond3A_82 : i32
      scf.if %cond3A_83 {
        %sub3A = arith.constant 1 : i32
        %sub3A_132 = arith.subi %mul3A_52, %sub3A : i32
        %mul3A_133 = arith.constant 80 : i32
        %mul3A_134 = arith.muli %sub3A_132, %mul3A_133 : i32
        %add3A_135 = arith.addi %mul3A_2, %mul3A_134 : i32
        %dma_wait3A_136 = arith.constant 1 : i32
        %dma_wait3A_137 = arith.constant 0 : i32
        %dma_wait3A_138 = arith.constant 0 : i32
        %dma_wait3A_139 = tpu.memref_slice %arg6[%dma_wait3A_136, %dma_wait3A_137, %dma_wait3A_138] : memref<2x80x128xf32, #tpu.memory_space<vmem>> -> memref<1x80x128xf32, #tpu.memory_space<vmem>>
        %dma_wait3A_140 = tpu.memref_squeeze %dma_wait3A_139 : memref<1x80x128xf32, #tpu.memory_space<vmem>> -> memref<80x128xf32, #tpu.memory_space<vmem>>
        %dma_wait3A_141 = arith.constant 0 : i32
        %dma_wait3A_142 = tpu.memref_slice %arg4[%add3A_135, %dma_wait3A_141] : memref<51200x128xf32, #tpu.memory_space<hbm>> -> memref<80x128xf32, #tpu.memory_space<hbm>>
        %dma_wait3A_143 = arith.constant 0 : i32
        %dma_wait3A_144 = tpu.memref_slice %arg4[%add3A_135, %dma_wait3A_143] : memref<51200x128xf32, #tpu.memory_space<hbm>> -> memref<80x128xf32, #tpu.memory_space<hbm>>
        %dma_wait3A_145 = arith.constant 0 : i32
        %dma_wait3A_146 = arith.constant 0 : i32
        %dma_wait3A_147 = tpu.memref_slice %arg6[%dma_wait3A_136, %dma_wait3A_145, %dma_wait3A_146] : memref<2x80x128xf32, #tpu.memory_space<vmem>> -> memref<1x80x128xf32, #tpu.memory_space<vmem>>
        %dma_wait3A_148 = tpu.memref_squeeze %dma_wait3A_147 : memref<1x80x128xf32, #tpu.memory_space<vmem>> -> memref<80x128xf32, #tpu.memory_space<vmem>>
        tpu.wait_dma2 semaphore(%arg11 : memref<!tpu.dma_semaphore, #tpu.memory_space<semaphore_mem>>) src(%dma_wait3A_148 : memref<80x128xf32, #tpu.memory_space<vmem>>) dst(%dma_wait3A_144 : memref<80x128xf32, #tpu.memory_space<hbm>>)
      } else {
      }
      %add3A_84 = arith.constant 1 : i32
      %add3A_85 = arith.addi %mul3A_52, %add3A_84 : i32
      %mul3A_86 = arith.constant 80 : i32
      %mul3A_87 = arith.muli %add3A_85, %mul3A_86 : i32
      %dma_start3A_88 = arith.constant 1 : i32
      %dma_start3A_89 = arith.constant 0 : i32
      %dma_start3A_90 = arith.constant 0 : i32
      %dma_start3A_91 = tpu.memref_slice %arg6[%dma_start3A_88, %dma_start3A_89, %dma_start3A_90] : memref<2x80x128xf32, #tpu.memory_space<vmem>> -> memref<1x80x128xf32, #tpu.memory_space<vmem>>
      %dma_start3A_92 = tpu.memref_squeeze %dma_start3A_91 : memref<1x80x128xf32, #tpu.memory_space<vmem>> -> memref<80x128xf32, #tpu.memory_space<vmem>>
      %dma_start3A_93 = tpu.memref_slice %arg5[%mul3A_87] : memref<1600xi32, #tpu.memory_space<vmem>> -> memref<80xi32, #tpu.memory_space<vmem>>
      %dma_start3A_94 = arith.constant 0 : i32
      %dma_start3A_95 = arith.constant 0 : i32
      %dma_start3A_96 = tpu.memref_slice %arg7[%dma_start3A_94, %dma_start3A_95] : memref<1000x128xf32, #tpu.memory_space<vmem_shared>> -> memref<1000x128xf32, #tpu.memory_space<vmem_shared>>
      tpu.enqueue_indirect_dma source(%dma_start3A_96 : memref<1000x128xf32, #tpu.memory_space<vmem_shared>>) target(%dma_start3A_92 : memref<80x128xf32, #tpu.memory_space<vmem>>) offsets(%dma_start3A_93 : memref<80xi32, #tpu.memory_space<vmem>>) semaphore(%arg9 : memref<!tpu.dma_semaphore, #tpu.memory_space<semaphore_mem>>)
      %add3A_97 = arith.constant 1 : i32
      %add3A_98 = arith.addi %mul3A_52, %add3A_97 : i32
      %mul3A_99 = arith.constant 80 : i32
      %mul3A_100 = arith.muli %add3A_98, %mul3A_99 : i32
      %dma_wait3A_101 = arith.constant 1 : i32
      %dma_wait3A_102 = arith.constant 0 : i32
      %dma_wait3A_103 = arith.constant 0 : i32
      %dma_wait3A_104 = tpu.memref_slice %arg6[%dma_wait3A_101, %dma_wait3A_102, %dma_wait3A_103] : memref<2x80x128xf32, #tpu.memory_space<vmem>> -> memref<1x80x128xf32, #tpu.memory_space<vmem>>
      %dma_wait3A_105 = tpu.memref_squeeze %dma_wait3A_104 : memref<1x80x128xf32, #tpu.memory_space<vmem>> -> memref<80x128xf32, #tpu.memory_space<vmem>>
      %dma_wait3A_106 = tpu.memref_slice %arg5[%mul3A_100] : memref<1600xi32, #tpu.memory_space<vmem>> -> memref<80xi32, #tpu.memory_space<vmem>>
      %dma_wait3A_107 = arith.constant 0 : i32
      %dma_wait3A_108 = arith.constant 0 : i32
      %dma_wait3A_109 = tpu.memref_slice %arg7[%dma_wait3A_107, %dma_wait3A_108] : memref<1000x128xf32, #tpu.memory_space<vmem_shared>> -> memref<1000x128xf32, #tpu.memory_space<vmem_shared>>
      tpu.wait_indirect_dma semaphore(%arg9 : memref<!tpu.dma_semaphore, #tpu.memory_space<semaphore_mem>>) src(%dma_wait3A_109 : memref<1000x128xf32, #tpu.memory_space<vmem_shared>>) dst(%dma_wait3A_105 : memref<80x128xf32, #tpu.memory_space<vmem>>)
      %mul3A_110 = arith.constant 80 : i32
      %mul3A_111 = arith.muli %add3A_98, %mul3A_110 : i32
      %add3A_112 = arith.addi %mul3A_2, %mul3A_111 : i32
      %dma_start3A_113 = arith.constant 1 : i32
      %dma_start3A_114 = arith.constant 0 : i32
      %dma_start3A_115 = arith.constant 0 : i32
      %dma_start3A_116 = tpu.memref_slice %arg6[%dma_start3A_113, %dma_start3A_114, %dma_start3A_115] : memref<2x80x128xf32, #tpu.memory_space<vmem>> -> memref<1x80x128xf32, #tpu.memory_space<vmem>>
      %dma_start3A_117 = tpu.memref_squeeze %dma_start3A_116 : memref<1x80x128xf32, #tpu.memory_space<vmem>> -> memref<80x128xf32, #tpu.memory_space<vmem>>
      %dma_start3A_118 = arith.constant 0 : i32
      %dma_start3A_119 = tpu.memref_slice %arg4[%add3A_112, %dma_start3A_118] : memref<51200x128xf32, #tpu.memory_space<hbm>> -> memref<80x128xf32, #tpu.memory_space<hbm>>
      %dma_start3A_120 = arith.constant 0 : i32
      %dma_start3A_121 = tpu.memref_slice %arg4[%add3A_112, %dma_start3A_120] : memref<51200x128xf32, #tpu.memory_space<hbm>> -> memref<80x128xf32, #tpu.memory_space<hbm>>
      %dma_start3A_122 = arith.constant 0 : i32
      %dma_start3A_123 = arith.constant 0 : i32
      %dma_start3A_124 = tpu.memref_slice %arg6[%dma_start3A_113, %dma_start3A_122, %dma_start3A_123] : memref<2x80x128xf32, #tpu.memory_space<vmem>> -> memref<1x80x128xf32, #tpu.memory_space<vmem>>
      %dma_start3A_125 = tpu.memref_squeeze %dma_start3A_124 : memref<1x80x128xf32, #tpu.memory_space<vmem>> -> memref<80x128xf32, #tpu.memory_space<vmem>>
      tpu.enqueue_dma source(%dma_start3A_125 : memref<80x128xf32, #tpu.memory_space<vmem>>) target(%dma_start3A_121 : memref<80x128xf32, #tpu.memory_space<hbm>>) target_semaphore(%arg11 : memref<!tpu.dma_semaphore, #tpu.memory_space<semaphore_mem>>)
      %add3A_126 = arith.constant 1 : i32
      %add3A_127 = arith.addi %add3A_98, %add3A_126 : i32
      %lt3A = arith.constant 20 : i32
      %lt3A_128 = arith.cmpi slt, %add3A_127, %lt3A : i32
      %convert_element_type3A_129 = arith.extui %lt3A_128 : i1 to i32
      %cond3A_130 = arith.constant 0 : i32
      %cond3A_131 = arith.cmpi ne, %convert_element_type3A_129, %cond3A_130 : i32
      scf.if %cond3A_131 {
        %sub3A = arith.constant 1 : i32
        %sub3A_132 = arith.subi %add3A_98, %sub3A : i32
        %mul3A_133 = arith.constant 80 : i32
        %mul3A_134 = arith.muli %sub3A_132, %mul3A_133 : i32
        %add3A_135 = arith.addi %mul3A_2, %mul3A_134 : i32
        %dma_wait3A_136 = arith.constant 0 : i32
        %dma_wait3A_137 = arith.constant 0 : i32
        %dma_wait3A_138 = arith.constant 0 : i32
        %dma_wait3A_139 = tpu.memref_slice %arg6[%dma_wait3A_136, %dma_wait3A_137, %dma_wait3A_138] : memref<2x80x128xf32, #tpu.memory_space<vmem>> -> memref<1x80x128xf32, #tpu.memory_space<vmem>>
        %dma_wait3A_140 = tpu.memref_squeeze %dma_wait3A_139 : memref<1x80x128xf32, #tpu.memory_space<vmem>> -> memref<80x128xf32, #tpu.memory_space<vmem>>
        %dma_wait3A_141 = arith.constant 0 : i32
        %dma_wait3A_142 = tpu.memref_slice %arg4[%add3A_135, %dma_wait3A_141] : memref<51200x128xf32, #tpu.memory_space<hbm>> -> memref<80x128xf32, #tpu.memory_space<hbm>>
        %dma_wait3A_143 = arith.constant 0 : i32
        %dma_wait3A_144 = tpu.memref_slice %arg4[%add3A_135, %dma_wait3A_143] : memref<51200x128xf32, #tpu.memory_space<hbm>> -> memref<80x128xf32, #tpu.memory_space<hbm>>
        %dma_wait3A_145 = arith.constant 0 : i32
        %dma_wait3A_146 = arith.constant 0 : i32
        %dma_wait3A_147 = tpu.memref_slice %arg6[%dma_wait3A_136, %dma_wait3A_145, %dma_wait3A_146] : memref<2x80x128xf32, #tpu.memory_space<vmem>> -> memref<1x80x128xf32, #tpu.memory_space<vmem>>
        %dma_wait3A_148 = tpu.memref_squeeze %dma_wait3A_147 : memref<1x80x128xf32, #tpu.memory_space<vmem>> -> memref<80x128xf32, #tpu.memory_space<vmem>>
        tpu.wait_dma2 semaphore(%arg10 : memref<!tpu.dma_semaphore, #tpu.memory_space<semaphore_mem>>) src(%dma_wait3A_148 : memref<80x128xf32, #tpu.memory_space<vmem>>) dst(%dma_wait3A_144 : memref<80x128xf32, #tpu.memory_space<hbm>>)
        %add3A_149 = arith.constant 1 : i32
        %add3A_150 = arith.addi %add3A_98, %add3A_149 : i32
        %mul3A_151 = arith.constant 80 : i32
        %mul3A_152 = arith.muli %add3A_150, %mul3A_151 : i32
        %dma_start3A_153 = arith.constant 0 : i32
        %dma_start3A_154 = arith.constant 0 : i32
        %dma_start3A_155 = arith.constant 0 : i32
        %dma_start3A_156 = tpu.memref_slice %arg6[%dma_start3A_153, %dma_start3A_154, %dma_start3A_155] : memref<2x80x128xf32, #tpu.memory_space<vmem>> -> memref<1x80x128xf32, #tpu.memory_space<vmem>>
        %dma_start3A_157 = tpu.memref_squeeze %dma_start3A_156 : memref<1x80x128xf32, #tpu.memory_space<vmem>> -> memref<80x128xf32, #tpu.memory_space<vmem>>
        %dma_start3A_158 = tpu.memref_slice %arg5[%mul3A_152] : memref<1600xi32, #tpu.memory_space<vmem>> -> memref<80xi32, #tpu.memory_space<vmem>>
        %dma_start3A_159 = arith.constant 0 : i32
        %dma_start3A_160 = arith.constant 0 : i32
        %dma_start3A_161 = tpu.memref_slice %arg7[%dma_start3A_159, %dma_start3A_160] : memref<1000x128xf32, #tpu.memory_space<vmem_shared>> -> memref<1000x128xf32, #tpu.memory_space<vmem_shared>>
        tpu.enqueue_indirect_dma source(%dma_start3A_161 : memref<1000x128xf32, #tpu.memory_space<vmem_shared>>) target(%dma_start3A_157 : memref<80x128xf32, #tpu.memory_space<vmem>>) offsets(%dma_start3A_158 : memref<80xi32, #tpu.memory_space<vmem>>) semaphore(%arg8 : memref<!tpu.dma_semaphore, #tpu.memory_space<semaphore_mem>>)
      } else {
      }
    }
    %scan3A_20 = arith.constant 10 : i32
    %add3A_21 = arith.constant 1440 : i32
    %add3A_22 = arith.addi %mul3A_2, %add3A_21 : i32
    %dma_wait3A = arith.constant 0 : i32
    %dma_wait3A_23 = arith.constant 0 : i32
    %dma_wait3A_24 = arith.constant 0 : i32
    %dma_wait3A_25 = tpu.memref_slice %arg6[%dma_wait3A, %dma_wait3A_23, %dma_wait3A_24] : memref<2x80x128xf32, #tpu.memory_space<vmem>> -> memref<1x80x128xf32, #tpu.memory_space<vmem>>
    %dma_wait3A_26 = tpu.memref_squeeze %dma_wait3A_25 : memref<1x80x128xf32, #tpu.memory_space<vmem>> -> memref<80x128xf32, #tpu.memory_space<vmem>>
    %dma_wait3A_27 = arith.constant 0 : i32
    %dma_wait3A_28 = tpu.memref_slice %arg4[%add3A_22, %dma_wait3A_27] : memref<51200x128xf32, #tpu.memory_space<hbm>> -> memref<80x128xf32, #tpu.memory_space<hbm>>
    %dma_wait3A_29 = arith.constant 0 : i32
    %dma_wait3A_30 = tpu.memref_slice %arg4[%add3A_22, %dma_wait3A_29] : memref<51200x128xf32, #tpu.memory_space<hbm>> -> memref<80x128xf32, #tpu.memory_space<hbm>>
    %dma_wait3A_31 = arith.constant 0 : i32
    %dma_wait3A_32 = arith.constant 0 : i32
    %dma_wait3A_33 = tpu.memref_slice %arg6[%dma_wait3A, %dma_wait3A_31, %dma_wait3A_32] : memref<2x80x128xf32, #tpu.memory_space<vmem>> -> memref<1x80x128xf32, #tpu.memory_space<vmem>>
    %dma_wait3A_34 = tpu.memref_squeeze %dma_wait3A_33 : memref<1x80x128xf32, #tpu.memory_space<vmem>> -> memref<80x128xf32, #tpu.memory_space<vmem>>
    tpu.wait_dma2 semaphore(%arg10 : memref<!tpu.dma_semaphore, #tpu.memory_space<semaphore_mem>>) src(%dma_wait3A_34 : memref<80x128xf32, #tpu.memory_space<vmem>>) dst(%dma_wait3A_30 : memref<80x128xf32, #tpu.memory_space<hbm>>)
    %add3A_35 = arith.constant 1520 : i32
    %add3A_36 = arith.addi %mul3A_2, %add3A_35 : i32
    %dma_wait3A_37 = arith.constant 1 : i32
    %dma_wait3A_38 = arith.constant 0 : i32
    %dma_wait3A_39 = arith.constant 0 : i32
    %dma_wait3A_40 = tpu.memref_slice %arg6[%dma_wait3A_37, %dma_wait3A_38, %dma_wait3A_39] : memref<2x80x128xf32, #tpu.memory_space<vmem>> -> memref<1x80x128xf32, #tpu.memory_space<vmem>>
    %dma_wait3A_41 = tpu.memref_squeeze %dma_wait3A_40 : memref<1x80x128xf32, #tpu.memory_space<vmem>> -> memref<80x128xf32, #tpu.memory_space<vmem>>
    %dma_wait3A_42 = arith.constant 0 : i32
    %dma_wait3A_43 = tpu.memref_slice %arg4[%add3A_36, %dma_wait3A_42] : memref<51200x128xf32, #tpu.memory_space<hbm>> -> memref<80x128xf32, #tpu.memory_space<hbm>>
    %dma_wait3A_44 = arith.constant 0 : i32
    %dma_wait3A_45 = tpu.memref_slice %arg4[%add3A_36, %dma_wait3A_44] : memref<51200x128xf32, #tpu.memory_space<hbm>> -> memref<80x128xf32, #tpu.memory_space<hbm>>
    %dma_wait3A_46 = arith.constant 0 : i32
    %dma_wait3A_47 = arith.constant 0 : i32
    %dma_wait3A_48 = tpu.memref_slice %arg6[%dma_wait3A_37, %dma_wait3A_46, %dma_wait3A_47] : memref<2x80x128xf32, #tpu.memory_space<vmem>> -> memref<1x80x128xf32, #tpu.memory_space<vmem>>
    %dma_wait3A_49 = tpu.memref_squeeze %dma_wait3A_48 : memref<1x80x128xf32, #tpu.memory_space<vmem>> -> memref<80x128xf32, #tpu.memory_space<vmem>>
    tpu.wait_dma2 semaphore(%arg11 : memref<!tpu.dma_semaphore, #tpu.memory_space<semaphore_mem>>) src(%dma_wait3A_49 : memref<80x128xf32, #tpu.memory_space<vmem>>) dst(%dma_wait3A_45 : memref<80x128xf32, #tpu.memory_space<hbm>>)
    return
  }
}

module attributes {stable_mosaic.version = 14 : i64} {
  func.func @_proj_first_kernel(%arg0: i32, %arg1: memref<1x1024x128xf32, #tpu.memory_space<vmem>>, %arg2: memref<1000x128xf32, #tpu.memory_space<vmem>>, %arg3: memref<1000x1xf32, #tpu.memory_space<vmem>>, %arg4: memref<1x1000x1024xf32, #tpu.memory_space<vmem>>) attributes {dimension_semantics = [#tpu.dimension_semantics<arbitrary>], iteration_bounds = array<i64: 50>, scalar_prefetch = 0 : i64, scratch_operands = 0 : i64, tpu.core_type = #tpu.core_type<tc>, window_params = [{transform_indices = @transform_0, window_bounds = array<i64: 1, 1024, 128>}, {pipeline_mode = #tpu.pipeline_mode<synchronous>, transform_indices = @transform_1, window_bounds = array<i64: 1000, 128>}, {pipeline_mode = #tpu.pipeline_mode<synchronous>, transform_indices = @transform_2, window_bounds = array<i64: 1000, 1>}, {transform_indices = @transform_3, window_bounds = array<i64: 1, 1000, 1024>}]} {
    %get3A = arith.constant 0 : index
    %get3A_0 = arith.constant 0 : index
    %get3A_1 = vector.load %arg2[%get3A, %get3A_0] : memref<1000x128xf32, #tpu.memory_space<vmem>>, vector<1000x128xf32>
    %get3A_2 = arith.constant 0 : index
    %get3A_3 = arith.constant 0 : index
    %get3A_4 = arith.constant 0 : index
    %get3A_5 = vector.load %arg1[%get3A_2, %get3A_3, %get3A_4] : memref<1x1024x128xf32, #tpu.memory_space<vmem>>, vector<1x1024x128xf32>
    %get3A_6 = vector.shape_cast %get3A_5 : vector<1x1024x128xf32> to vector<1024x128xf32>
    %dot_general3A = arith.constant dense<0.000000e+00> : vector<1000x1024xf32>
    %dot_general3A_7 = tpu.matmul %get3A_1, %get3A_6, %dot_general3A {dimension_numbers = #tpu.dot_dimension_numbers<[1], [1], [0], [0], [0, 0, 1, 0], [], []>, transpose_lhs_hint = false} : vector<1000x128xf32>, vector<1024x128xf32>, vector<1000x1024xf32> -> vector<1000x1024xf32>
    %get3A_8 = arith.constant 0 : index
    %get3A_9 = arith.constant 0 : index
    %get3A_10 = vector.load %arg3[%get3A_8, %get3A_9] : memref<1000x1xf32, #tpu.memory_space<vmem>>, vector<1000x1xf32>
    %add3A = vector.broadcast %get3A_10 : vector<1000x1xf32> to vector<1000x1024xf32>
    %add3A_11 = arith.addf %dot_general3A_7, %add3A : vector<1000x1024xf32>
    %swap3A = arith.constant 0 : index
    %swap3A_12 = arith.constant 0 : index
    %swap3A_13 = arith.constant 0 : index
    %swap3A_14 = vector.load %arg4[%swap3A, %swap3A_12, %swap3A_13] : memref<1x1000x1024xf32, #tpu.memory_space<vmem>>, vector<1x1000x1024xf32>
    %swap3A_15 = vector.shape_cast %swap3A_14 : vector<1x1000x1024xf32> to vector<1000x1024xf32>
    %swap3A_16 = vector.shape_cast %add3A_11 : vector<1000x1024xf32> to vector<1x1000x1024xf32>
    tpu.vector_store %arg4[%swap3A, %swap3A_12, %swap3A_13], %swap3A_16 {strides = array<i32>} : memref<1x1000x1024xf32, #tpu.memory_space<vmem>>, vector<1x1000x1024xf32>,
    return
  }
  func.func @transform_0(%arg0: i32) -> (i32, i32, i32) {
    %c0_i32 = arith.constant 0 : i32
    %c0_i32_0 = arith.constant 0 : i32
    %c0_i32_1 = arith.constant 0 : i32
    return %arg0, %c0_i32, %c0_i32_0 : i32, i32, i32
  }
  func.func @transform_1(%arg0: i32) -> (i32, i32) {
    %c0_i32 = arith.constant 0 : i32
    %c0_i32_0 = arith.constant 0 : i32
    %c0_i32_1 = arith.constant 0 : i32
    return %c0_i32, %c0_i32_0 : i32, i32
  }
  func.func @transform_2(%arg0: i32) -> (i32, i32) {
    %c0_i32 = arith.constant 0 : i32
    %c0_i32_0 = arith.constant 0 : i32
    %c0_i32_1 = arith.constant 0 : i32
    return %c0_i32, %c0_i32_0 : i32, i32
  }
  func.func @transform_3(%arg0: i32) -> (i32, i32, i32) {
    %add3A = arith.constant 0 : i32
    %add3A_0 = arith.addi %add3A, %arg0 : i32
    %c0_i32 = arith.constant 0 : i32
    %c0_i32_1 = arith.constant 0 : i32
    %c0_i32_2 = arith.constant 0 : i32
    return %add3A_0, %c0_i32, %c0_i32_1 : i32, i32, i32
  }
}

</mosaic_0001>

<sc_bundles>
// kernel: kernel.4.cloned.1.call-start
scs
__scs_entry_jumppad:
0x0: {  	(pc) =	sbr.rel $0x88, $3  }
0x1: {  	(tag) =	ssettag $0x0;
	lr =	simm.s32 $0x1  }
0x2: {  	[smem:$0x3F9D] =	sst lr;
	_ =	strace $0xD0000000  }
0x3: {  	_ = 	snop  }
0x4: {  	_ = 	snop  }
0x5: {  	_ = 	snop  }
0x6: {  	_ = 	snop  }
0x7: {  	_ = 	snop  }
__scs_overlays_trampoline_lowered:
0x8: {  	[smem:$0x3FAC] =	sst s0  }
0x9: {  	[smem:$0x3FAD] =	sst s1  }
0xa: {  	[smem:$0x3FAE] =	sst s2  }
0xb: {  	[smem:$0x3FAF] =	sst s3  }
0xc: {  	[smem:$0x3FB0] =	sst s4  }
0xd: {  	[smem:$0x3FB1] =	sst s5  }
0xe: {  	[smem:$0x3FB2] =	sst s6  }
0xf: {  	[smem:$0x3FB3] =	sst s7  }
0x10: {  	[smem:$0x3FB4] =	sst s8  }
0x11: {  	[smem:$0x3FB5] =	sst s9;
	s0 =	simm.s32 @!p0 $0x0  }
0x12: {  	s1 =	sld [smem:$0x3F9B];
	s0 =	simm.s32 @p0 $0x1  }
0x13: {  	[smem:$0x3FB6] =	sst s0;
	s0 =	simm.s32 @!p1 $0x0  }
0x14: {  	s2 =	sld [smem:$0x3F9A];
	s0 =	simm.s32 @p1 $0x1  }
0x15: {  	[smem:$0x3FB7] =	sst s0;
	s0 =	simm.s32 @!p2 $0x0  }
0x16: {  	s3 =	sld [smem:$0x3FDB];
	s0 =	simm.s32 @p2 $0x1  }
0x17: {  	s4 =	simm.s32 $0x1BF5;
	[smem:$0x3FB9] =	sst s0  }
0x18: {  	s0 =	sld [smem:$0x3F9C];
	_ =	swait.ge [sflag:s4], $0x0  }
0x19: {  	s7 =	sld [smem:$0x3F9D]  }
0x1a: {  	s8 =	sadd.s32 $0xFFFFE003, lr  }
0x1b: {  	s9 =	sadd.s32 $0xFFFFFEF7, lr;
	s5 =	simm.s32 $0xFFFFFFFF;
	p2 =	slt.u32 s8, $0xFFFFF086  }
0x1c: {  	p1 =	slt.u32 s9, $0xF7A;
	s5 =	simm.s32 @!p2 $0x0  }
0x1d: {  	s5 =	simm.s32 @p1 $0x1;
	p0 =	seq.s32 s7, s2  }
0x1e: {  	s7 =	smul.u32 @!p0 $0xF7A, s2;
	p2 =	seq.s32 @!p0 s5, $0x0  }
0x1f: {  	s9 =	smul.u32 $0xF7A, s1;
	s8 =	simm.s32 @!p0 $0x1BF5;
	p2 =	por !p2, p0  }
0x20: {  	[sflag:s8] =	ssyncset.s32 @!p0 $0xFFFFF086;
	s6 =	sadd.s32 @!p0 s3, s7;
	s7 =	simm.s32 @!p0 $0x108  }
0x21: {  	s3 =	sadd.s32 s3, s9;
	s6 =	sadd.s32 @!p0 $0x88, s6;
	s7 =	simm.s32 @p2 $0x1082  }
0x22: {  	[simem:s7], [sflag:s8] =	dma.local @!p0 [hbm:s6], $0xF7A  }
0x23: {  	s9 =	sor.u32 $0xD0000000, s2;
	s6 =	simm.s32 $0x108;
	_ =	swait.ge @!p0 [sflag:s8], $0x0  }
0x24: {  	s3 =	sadd.s32 $0x88, s3;
	s6 =	simm.s32 @!p1 $0x1082;
	[sflag:s4] =	ssyncset.s32 $0xFFFFF086  }
0x25: {  	[simem:s6], [sflag:s4] =	dma.local [hbm:s3], $0xF7A  }
0x26: {  	[smem:$0x3F9D] =	sst s1;
	(tag) =	ssettag s2;
	_ =	strace s9  }
0x27: {  	s1 =	sld [smem:$0x3FAD]  }
0x28: {  	s2 =	sld [smem:$0x3FAE]  }
0x29: {  	s4 =	sld [smem:$0x3FB0]  }
0x2a: {  	p0 =	seq.s32 s5, $0x0;
	s5 =	sld [smem:$0x3FB1]  }
0x2b: {  	s6 =	sld [smem:$0x3FB2]  }
0x2c: {  	s7 =	sld [smem:$0x3FB3]  }
0x2d: {  	s3 =	simm.s32 $0x108;
	s8 =	sld [smem:$0x3FB4]  }
0x2e: {  	s3 =	simm.s32 @!p0 $0x1082;
	s9 =	sld [smem:$0x3FB5]  }
0x2f: {  	lr =	sadd.s32 s0, s3;
	s0 =	sld [smem:$0x3FAC]  }
0x30: {  	s3 =	sld [smem:$0x3FAF]  }
0x31: {  	[smem:$0x3FB8] =	sst s10  }
0x32: {  	s10 =	sld [smem:$0x3FB6];
	_ =	sdelay $0x3  }
0x33: {  	p0 =	seq.s32 s10, $0x1;
	s10 =	sld [smem:$0x3FB8];
	_ =	sdelay $0x3  }
0x34: {  	[smem:$0x3FB8] =	sst s10  }
0x35: {  	s10 =	sld [smem:$0x3FB7];
	_ =	sdelay $0x3  }
0x36: {  	p1 =	seq.s32 s10, $0x1;
	s10 =	sld [smem:$0x3FB8];
	_ =	sdelay $0x3  }
0x37: {  	[smem:$0x3FB8] =	sst s10  }
0x38: {  	s10 =	sld [smem:$0x3FB9]  }
0x39: {  	_ = 	snop;
	(pc) =	sbr.ind lr, $3  }
0x3a: {  	_ = 	snop  }
0x3b: {  	_ = 	snop  }
0x3c: {  	p2 =	seq.s32 s10, $0x1;
	s10 =	sld [smem:$0x3FB8]  }
0x3d: {  	_ =	shalt  }
0x3e: {  	_ =	shalt  }
0x3f: {  	_ =	shalt  }
0x40: {  	_ =	shalt  }
0x41: {  	_ =	shalt  }
0x42: {  	_ =	shalt  }
0x43: {  	_ =	shalt  }
0x44: {  	_ =	shalt  }
0x45: {  	_ =	shalt  }
0x46: {  	_ =	shalt  }
0x47: {  	_ =	shalt  }
0x48: {  	_ =	shalt  }
0x49: {  	_ =	shalt  }
0x4a: {  	_ =	shalt  }
0x4b: {  	_ =	shalt  }
0x4c: {  	_ =	shalt  }
0x4d: {  	_ =	shalt  }
0x4e: {  	_ =	shalt  }
0x4f: {  	_ =	shalt  }
0x50: {  	_ =	shalt  }
0x51: {  	_ =	shalt  }
0x52: {  	_ =	shalt  }
0x53: {  	_ =	shalt  }
0x54: {  	_ =	shalt  }
0x55: {  	_ =	shalt  }
0x56: {  	_ =	shalt  }
0x57: {  	_ =	shalt  }
0x58: {  	_ =	shalt  }
0x59: {  	_ =	shalt  }
0x5a: {  	_ =	shalt  }
0x5b: {  	_ =	shalt  }
0x5c: {  	_ =	shalt  }
0x5d: {  	_ =	shalt  }
0x5e: {  	_ =	shalt  }
0x5f: {  	_ =	shalt  }
0x60: {  	_ =	shalt  }
0x61: {  	_ =	shalt  }
0x62: {  	_ =	shalt  }
0x63: {  	_ =	shalt  }
0x64: {  	_ =	shalt  }
0x65: {  	_ =	shalt  }
0x66: {  	_ =	shalt  }
0x67: {  	_ =	shalt  }
0x68: {  	_ =	shalt  }
0x69: {  	_ =	shalt  }
0x6a: {  	_ =	shalt  }
0x6b: {  	_ =	shalt  }
0x6c: {  	_ =	shalt  }
0x6d: {  	_ =	shalt  }
0x6e: {  	_ =	shalt  }
0x6f: {  	_ =	shalt  }
0x70: {  	_ =	shalt  }
0x71: {  	_ =	shalt  }
0x72: {  	_ =	shalt  }
0x73: {  	_ =	shalt  }
0x74: {  	_ =	shalt  }
0x75: {  	_ =	shalt  }
0x76: {  	_ =	shalt  }
0x77: {  	_ =	shalt  }
0x78: {  	_ =	shalt  }
0x79: {  	_ =	shalt  }
0x7a: {  	_ =	shalt  }
0x7b: {  	_ =	shalt  }
0x7c: {  	_ =	shalt  }
0x7d: {  	_ =	shalt  }
0x7e: {  	_ =	shalt  }
0x7f: {  	_ =	shalt  }
0x80: {  	_ =	shalt  }
0x81: {  	_ =	shalt  }
0x82: {  	_ =	shalt  }
0x83: {  	_ =	shalt  }
0x84: {  	_ =	shalt  }
0x85: {  	_ =	shalt  }
0x86: {  	_ =	shalt  }
0x87: {  	_ =	shalt  }
.Lfunc_end0:
.L_simem_size_0:
called_computation_lowered:
.L_overlay_start_0:
0x88: {  	s2 =	sld [smem:$0x3FD9]  }
0x89: {  	s3 =	sld [smem:$0x3FFE];
	_ =	sdelay $0x1  }
0x8a: {  	s1 =	srdreg.scid  }
0x8b: {  	s0 =	sand.u32 $0x1, s1  }
0x8c: {  	s17 =	sshll.u32 s0, $0xA;
	s2 =	sadd.s32 s3, s2  }
0x8d: {  	s2 =	sadd.s32 s2, s17  }
0x8e: {  	[smem:$0x3FC4] =	sst s2  }
0x8f: {  	_ = 	snop  }
0x90: {  	s2 =	sld [smem:$0x3FD0];
	(tm) =	ssettm $0x1  }
0x91: {  	s18 =	sld [smem:$0x3FFB];
	_ =	sdelay $0x3  }
0x92: {  	_ =	strace s18  }
0x93: {  	s3 =	sld [smem:$0x3FFC];
	_ =	sdelay $0x3  }
0x94: {  	_ =	strace s3  }
0x95: {  	s3 =	sld [smem:$0x3FFD];
	_ =	sdelay $0x3  }
0x96: {  	_ =	strace s3  }
0x97: {  	_ =	strace $0x8FFFFFFF  }
0x98: {  	s19 =	sld [smem:$0x3FDB];
	_ =	sdelay $0x1  }
0x99: {  	s4 =	simm.s32 $_scs_section_size  }
0x9a: {  	s5 =	simm.s32 $_size__tile_overlayer_lowered;
	s6 =	simm.s32 $_tile_overlayer_lowered  }
0x9b: {  	s22 =	simm.s32 $0x1BFF;
	s21 =	sshll.u32 s6, $0x1;
	s3 =	sadd.s32 s4, s19  }
0x9c: {  	s7 =	simm.s32 $0x0;
	s20 =	sshll.u32 s5, $0x1;
	s5 =	sadd.s32 s21, s3  }
0x9d: {  	[timem:s7], [sflag:s22] =	dma.local [hbm:s5], s20  }
0x9e: {  	_ =	swait.ge [sflag:s22], s20  }
0x9f: {  	s4 =	ssub.s32 $0x0, s20;
	[sflag:s22] =	ssyncset.done $0x0  }
0xa0: {  	[sflag:s22] =	ssyncadd.s32 s4;
	_ =	sdelay $0x1  }
0xa1: {  	s23 =	simm.s32 $0x1B8B  }
0xa2: {  	_ =	swait.ge [sflag:s23], $0x1  }
0xa3: {  	[sflag:s23] =	ssyncset.done $0x0  }
0xa4: {  	s25 =	simm.s32 $0x1B8E;
	s24 =	sld [smem:$0x3FFE];
	[sflag:s23] =	ssyncadd.s32 $0xFFFFFFFF  }
0xa5: {  	s26 =	simm.s32 $execute0_lowered;
	[smem:$0x3FD2] =	sst s25  }
0xa6: {  	s5 =	sshll.u32 s26, $0x1;
	_ =	strace $0x80000046;
	[dreg:$0x1] =	wrdreg $0xFFFFFFFF  }
0xa7: {  	s28 =	simm.s32 $_size_execute0_lowered;
	s3 =	sadd.s32 s3, s5;
	[dreg:$0x0] =	wrdreg $0x0  }
0xa8: {  	s5 =	sshll.u32 s28, $0x1;
	[dreg:$0x2] =	wrdreg s3  }
0xa9: {  	[dreg:$0x3] =	wrdreg s5  }
0xaa: {  	[dreg:$0x4] =	wrdreg $0xC0  }
0xab: {  	_ =	task [dreg:s7], $0x5FFFF  }
0xac: {  	[dreg:$0x1] =	wrdreg $0xFFFFFFFF  }
0xad: {  	[dreg:$0x0] =	wrdreg $0x60  }
0xae: {  	[dreg:$0x2] =	wrdreg s2  }
0xaf: {  	[dreg:$0x3] =	wrdreg s24  }
0xb0: {  	[dreg:$0x4] =	wrdreg $0x56800  }
0xb1: {  	[dreg:$0x5] =	wrdreg $0x9  }
0xb2: {  	_ =	task.clear_ibuf [dreg:s7], $0x6FFFF;
	_ =	strace $0x90000046  }
0xb3: {  	s29 =	simm.s32 $0x9;
	_ =	strace $0x80000048  }
0xb4: {  	_ =	swait.ge [sflag:s29], $0x1  }
0xb5: {  	[sflag:s29] =	ssyncadd.s32 $0xFFFFFFFF  }
0xb6: {  	_ =	strace $0x90000048  }
0xb7: {  	_ =	sfence  }
0xb8: {  	s30 =	sld [smem:$0x0];
	_ =	sdelay $0x2  }
0xb9: {  	s31 =	sshll.u32 s1, $0xD;
	s1 =	sshrl.u32 s1, $0x2  }
0xba: {  	s3 =	sand.u32 $0x4000, s31;
	s1 =	sadd.s32 s1, s30  }
0xbb: {  	s0 =	sor.u32 s3, s0;
	s1 =	sshll.u32 s1, $0x11  }
0xbc: {  	s0 =	sor.u32 s1, s0  }
0xbd: {  	s0 =	sadd.s32 $0x8F2B, s0  }
0xbe: {  	[sflag:s0] =	ssyncadd.remote.s32 $0x1  }
0xbf: {  	_ =	sfence.sel $0xFFFF  }
0xc0: {  	[dreg:$0x0] =	wrdreg $0xFFFFFFFF;
	(pc) =	sbr.abs _section_cstart, $3  }
0xc1: {  	[dreg:$0x1] =	wrdreg $0xFFFFFFFF  }
0xc2: {  	_ =	task.clear_ibuf [dreg:s7], $0x2FFFF;
	_ =	strace $0x9FFFFFFF  }
0xc3: {  	(tm) =	ssettm $0x7FFFFFFF  }
tec
execute0_lowered:
.L_overlay_start_1:
0x0: {  	(tag) =	ssettag $0x1  }
0x1: {  	s0 =	rddreg [dreg:$0x0]  }
0x2: {  	s1 =	srdreg.scid;
	s4 =	rddreg [dreg:$0x1]  }
0x3: {  	s8 =	stileid.u32;
	s2 =	rddreg [dreg:$0x2];
	s3 =	simm.s32 $0x0  }
0x4: {  	s13 =	simm.s32 $0x1;
	s14 =	simm.s32 $0x2E80;
	s15 =	simm.s32 $0x2  }
0x5: {  	s16 =	simm.s32 $0x3;
	s17 =	simm.s32 $0xA0;
	s18 =	simm.s32 $0x4  }
0x6: {  	s19 =	simm.s32 $0x0;
	s5 =	sand.u32 $0x1, s1;
	s1 =	rddreg [dreg:$0x3]  }
0x7: {  	s29 =	sshll.u32 s8, $0x1;
	[smem:$0x7FF] =	sst s3;
	s11 =	smul.u32 $0xC800, s8  }
0x8: {  	s10 =	sadd.s32 $0x1E00, s4;
	s6 =	sor.u32 s5, s29;
	s12 =	smul.u32 $0x6400, s5  }
0x9: {  	p0 =	sne.s32 s8, $0x0;
	s9 =	ssub.s32 $0x2, s5;
	s7 =	smul.u32 $0x640, s6  }
0xa: {  	_ =	strace $0x80000047;
	s6 =	smul.u32 $0x6400, s6;
	s30 =	sshrl.u32 s9, $0x1  }
.Ltmp0:
0xb: {  	s31 =	sadd.s32 s11, s10;
	s9 =	ssub.s32 s9, s30;
	(pc) =	sbr.rel .LBB2_1-.Ltmp0, $4  }
0xc: {  	s11 =	simm.s32 $0x50;
	s7 =	sshrl.u32 s7, $0x3;
	s5 =	smax.u32 s9, $0x1  }
0xd: {  	s6 =	sadd.s32 s10, s6;
	s9 =	sadd.s32 s12, s31;
	s10 =	simm.s32 $0x5  }
0xe: {  	s12 =	simm.s32 $0x680;
	s7 =	sadd.s32 s7, s4;
	s8 =	sadd.s32 $0xF00, s9  }
0xf: {  	s9 =	sshrl.u32 @!p0 s2, $0x3;
	s4 =	sadd.s32 $0x400, s7;
	s7 =	sadd.s32 $0x500, s6  }
.LBB2_4:
0x10: {  	s19 =	sadd.s32 $0x1, s19  }
0x11: {  	p1 =	sne.s32 s19, s5  }
.Ltmp1:
0x12: {  	_ = 	snop;
	(pc) =	sbr.rel @!p1 .LBB2_5-.Ltmp1, $4  }
0x13: {  	_ = 	snop  }
0x14: {  	_ =	swait.ge [sflag:s18], $0x2800  }
0x15: {  	[sflag:s18] =	ssyncset.done $0x0  }
0x16: {  	[sflag:s18] =	ssyncadd.s32 $0xFFFFD800  }
.LBB2_1:
0x17: {  	s20 =	simm.s32 @!p0 $0x1C05  }
0x18: {  	[spmem:s9], [sflag:s20] =	dma.local @!p0 [hbm:s0], $0x3E80  }
0x19: {  	s20 =	simm.s32 @!p0 $0x5  }
0x1a: {  	_ =	swait.ge @!p0 [sflag:s20], $0x3E80  }
0x1b: {  	[sflag:s20] =	ssyncset.done @!p0 $0x0  }
0x1c: {  	[sflag:s20] =	ssyncadd.s32 @!p0 $0xFFFFC180  }
0x1d: {  	[tilespmem:s3], [sflag:$0x5] =	stream.linear.gather [hbm4b:s4+s3], $0x640, $0x38;
	[tilespmem:$0x75C0] =	vst v63  }
0x1e: {  	_ =	swait.ge [sflag:s10], $0x640  }
0x1f: {  	[sflag:s10] =	ssyncset.done $0x0  }
0x20: {  	[sflag:s10] =	ssyncadd.s32 $0xFFFFF9C0  }
0x21: {  	[bflag:$0x0] =	sbarrier.arrive $0xFFFF  }
0x22: {  	[tilespmem:s12], [sflag:$0x1] =	stream.indirect.gather [spmem:s2], $0x80, s3, s11, $0xb8;
	[tilespmem:$0x75C0] =	vst v63  }
0x23: {  	_ =	swait.ge [sflag:s13], $0x2800  }
0x24: {  	[sflag:s13] =	ssyncset.done $0x0  }
0x25: {  	[sflag:s13] =	ssyncadd.s32 $0xFFFFD800  }
0x26: {  	[hbm4b:s6+s3] =	stream.linear.scatter [tilespmem:s12], [sflag:$0x3], $0x2800, $0x38;
	[tilespmem:$0x75C0] =	vst v63  }
0x27: {  	_ = 	snop  }
0x28: {  	[tilespmem:s14], [sflag:$0x2] =	stream.indirect.gather [spmem:s2], $0x80, s11, s11, $0xb8;
	[tilespmem:$0x75C0] =	vst v63  }
0x29: {  	_ =	swait.ge [sflag:s15], $0x2800  }
0x2a: {  	[sflag:s15] =	ssyncset.done $0x0  }
0x2b: {  	[sflag:s15] =	ssyncadd.s32 $0xFFFFD800  }
0x2c: {  	[hbm4b:s7+s3] =	stream.linear.scatter [tilespmem:s14], [sflag:$0x4], $0x2800, $0x38;
	[tilespmem:$0x75C0] =	vst v63  }
0x2d: {  	_ =	swait.ge [sflag:s16], $0x2800  }
0x2e: {  	[sflag:s16] =	ssyncset.done $0x0  }
0x2f: {  	s21 =	simm.s32 $0x0;
	s20 =	smov.u32 s8;
	[sflag:s16] =	ssyncadd.s32 $0xFFFFD800  }
0x30: {  	[tilespmem:s12], [sflag:$0x1] =	stream.indirect.gather [spmem:s2], $0x80, s17, s11, $0xb8;
	[tilespmem:$0x75C0] =	vst v63  }
.LBB2_2:
0x31: {  	_ =	swait.ge [sflag:s13], $0x2800  }
0x32: {  	[sflag:s13] =	ssyncset.done $0x0  }
0x33: {  	s22 =	sadd.s32 $0xFFFFFB00, s20;
	[sflag:s13] =	ssyncadd.s32 $0xFFFFD800  }
0x34: {  	[hbm4b:s22+s3] =	stream.linear.scatter [tilespmem:s12], [sflag:$0x3], $0x2800, $0x38;
	[tilespmem:$0x75C0] =	vst v63  }
0x35: {  	_ =	swait.ge [sflag:s18], $0x2800  }
0x36: {  	s22 =	sshra.s32 s21, $0x2;
	[sflag:s18] =	ssyncset.done $0x0  }
0x37: {  	s23 =	sadd.s32 $0xF0, s22;
	[sflag:s18] =	ssyncadd.s32 $0xFFFFD800  }
0x38: {  	[tilespmem:s14], [sflag:$0x2] =	stream.indirect.gather [spmem:s2], $0x80, s23, s11, $0xb8;
	[tilespmem:$0x75C0] =	vst v63  }
0x39: {  	_ =	swait.ge [sflag:s15], $0x2800  }
0x3a: {  	p1 =	seq.s32 s21, $0x1400;
	[sflag:s15] =	ssyncset.done $0x0  }
.Ltmp2:
0x3b: {  	[sflag:s15] =	ssyncadd.s32 $0xFFFFD800;
	(pc) =	sbr.rel @p1 .LBB2_4-.Ltmp2, $4  }
0x3c: {  	[hbm4b:s20+s3] =	stream.linear.scatter [tilespmem:s14], [sflag:$0x4], $0x2800, $0x38;
	[tilespmem:$0x75C0] =	vst v63  }
0x3d: {  	_ =	swait.ge [sflag:s16], $0x2800  }
0x3e: {  	[sflag:s16] =	ssyncset.done $0x0  }
0x3f: {  	[sflag:s16] =	ssyncadd.s32 $0xFFFFD800  }
.Ltmp3:
0x40: {  	(pc) =	sbr.rel .LBB2_2-.Ltmp3, $3  }
0x41: {  	_ =	sdelay $0x1  }
0x42: {  	s22 =	sadd.s32 $0x140, s22;
	s21 =	sadd.s32 $0x280, s21;
	s20 =	sadd.s32 $0xA00, s20  }
0x43: {  	[tilespmem:s12], [sflag:$0x1] =	stream.indirect.gather [spmem:s2], $0x80, s22, s11, $0xb8;
	[tilespmem:$0x75C0] =	vst v63  }
.LBB2_5:
0x44: {  	_ =	sfence.sel $0x180000  }
0x45: {  	[bflag:$0x0] =	sbarrier.arrive $0xFFFF  }
0x46: {  	_ =	strace $0x90000047  }
0x47: {  	s0 =	sadd.s32 @!p0 $0x100000, s1;
	[bflag:$0x2] =	sbarrier.arrive $0xFFFF  }
0x48: {  	[sflag:s0] =	ssyncadd.tile.s32 @!p0 $0x1;
	_ =	shalt  }
.Lfunc_end2:
_tile_overlayer_lowered:
.L_overlay_start_2:
0x49: {  	(tag) =	ssettag $0x2  }
0x4a: {  	s0 =	rddreg [dreg:$0x0];
	s2 =	stileid.u32  }
0x4b: {  	s1 =	rddreg [dreg:$0x1];
	p0 =	sne.s32 s2, $0x0  }
0x4c: {  	s3 =	rddreg [dreg:$0x2];
	[bflag:$0x3] =	sbarrier.arrive $0xFFFF;
	s2 =	simm.s32 @!p0 $0x1C05  }
0x4d: {  	[timem:s3], [sflag:s2] =	dma.local @!p0 [hbm:s0], s1  }
0x4e: {  	s0 =	simm.s32 @!p0 $0x5  }
0x4f: {  	_ =	swait.ge @!p0 [sflag:s0], s1  }
0x50: {  	s1 =	ssub.s32 @!p0 $0x0, s1;
	[sflag:s0] =	ssyncset.done @!p0 $0x0  }
0x51: {  	[sflag:s0] =	ssyncadd.s32 @!p0 s1  }
0x52: {  	[bflag:$0x3] =	sbarrier.arrive $0xFFFF  }
0x53: {  	_ =	shalt  }

</sc_bundles>
